<compile_context>
chip_gen: v7x
topology: tpu7x:2x2x1
jax: 0.10.2.dev20260603
libtpu: 0.0.44.dev20260713+nightly
codegen_flags: <defaults>
</compile_context>

<pallas_src>
import jax
import jax.numpy as jnp
from jax import lax
from jax.experimental import pallas as pl
from jax.experimental.pallas import tpu as pltpu
from jax.experimental.pallas import tpu_sc as plsc

N = 10000
E = 320000
D = 128
NC = 2
NS = 16
NW = NC * NS
LANES = 16

NPAD = 10240
EP = 327680
ROWS_PER_TILE = 80
EDGES_PER_TILE = ROWS_PER_TILE * 128
NROWS = EP // 128

_mesh = plsc.VectorSubcoreMesh(core_axis_name="c", subcore_axis_name="s")
_sc_params = pltpu.CompilerParams(needs_layout_passes=False)


def _wid():
    return lax.axis_index("c") * NS + lax.axis_index("s")


def _sc_deg_body(src_hbm, dst_hbm, ew_hbm, out_hbm,
                 src_v, dst_v, ew_v, degs_v, degd_v):
    w = _wid()
    c = lax.axis_index("c")
    s = lax.axis_index("s")
    row0 = w * ROWS_PER_TILE
    e0 = w * EDGES_PER_TILE

    @pl.loop(0, NPAD // LANES)
    def _(k):
        z = jnp.zeros((LANES,), jnp.float32)
        degs_v[pl.ds(k * LANES, LANES)] = z
        degd_v[pl.ds(k * LANES, LANES)] = z

    pltpu.sync_copy(src_hbm.at[pl.ds(row0, ROWS_PER_TILE)], src_v)
    pltpu.sync_copy(dst_hbm.at[pl.ds(row0, ROWS_PER_TILE)], dst_v)
    pltpu.sync_copy(ew_hbm.at[pl.ds(e0, EDGES_PER_TILE)], ew_v)

    @pl.loop(0, ROWS_PER_TILE)
    def _(i):
        for j in range(128 // LANES):
            sl = pl.ds(j * LANES, LANES)
            ev = ew_v[pl.ds(i * 128 + j * LANES, LANES)]
            plsc.addupdate_scatter(degs_v, [src_v[i, sl]], ev)
            plsc.addupdate_scatter(degd_v, [dst_v[i, sl]], ev)

    pltpu.sync_copy(degs_v, out_hbm.at[c, s, 0])
    pltpu.sync_copy(degd_v, out_hbm.at[c, s, 1])


@jax.jit
def _sc_deg(src2d, dst2d, ew):
    return pl.kernel(
        _sc_deg_body,
        out_type=jax.ShapeDtypeStruct((NC, NS, 2, NPAD), jnp.float32),
        mesh=_mesh,
        scratch_types=[
            pltpu.VMEM((ROWS_PER_TILE, 128), jnp.int32),
            pltpu.VMEM((ROWS_PER_TILE, 128), jnp.int32),
            pltpu.VMEM((EDGES_PER_TILE,), jnp.float32),
            pltpu.VMEM((NPAD,), jnp.float32),
            pltpu.VMEM((NPAD,), jnp.float32),
        ],
        compiler_params=_sc_params,
    )(src2d, dst2d, ew)


def _sc_coef_body(inv_hbm, src_hbm, dst_hbm, ew_hbm, coef_hbm,
                  invs_v, invd_v, src_v, dst_v, ew_v, coef_v):
    w = _wid()
    row0 = w * ROWS_PER_TILE
    e0 = w * EDGES_PER_TILE

    pltpu.sync_copy(inv_hbm.at[0], invs_v)
    pltpu.sync_copy(inv_hbm.at[1], invd_v)
    pltpu.sync_copy(src_hbm.at[pl.ds(row0, ROWS_PER_TILE)], src_v)
    pltpu.sync_copy(dst_hbm.at[pl.ds(row0, ROWS_PER_TILE)], dst_v)
    pltpu.sync_copy(ew_hbm.at[pl.ds(e0, EDGES_PER_TILE)], ew_v)

    @pl.loop(0, ROWS_PER_TILE)
    def _(i):
        for j in range(128 // LANES):
            sl = pl.ds(j * LANES, LANES)
            fl = pl.ds(i * 128 + j * LANES, LANES)
            a = plsc.load_gather(invs_v, [src_v[i, sl]])
            b = plsc.load_gather(invd_v, [dst_v[i, sl]])
            coef_v[fl] = ew_v[fl] * a * b

    pltpu.sync_copy(coef_v, coef_hbm.at[pl.ds(e0, EDGES_PER_TILE)])


@jax.jit
def _sc_coef(inv, src2d, dst2d, ew):
    return pl.kernel(
        _sc_coef_body,
        out_type=jax.ShapeDtypeStruct((EP,), jnp.float32),
        mesh=_mesh,
        scratch_types=[
            pltpu.VMEM((NPAD,), jnp.float32),
            pltpu.VMEM((NPAD,), jnp.float32),
            pltpu.VMEM((ROWS_PER_TILE, 128), jnp.int32),
            pltpu.VMEM((ROWS_PER_TILE, 128), jnp.int32),
            pltpu.VMEM((EDGES_PER_TILE,), jnp.float32),
            pltpu.VMEM((EDGES_PER_TILE,), jnp.float32),
        ],
        compiler_params=_sc_params,
    )(inv, src2d, dst2d, ew)


CH = 8
GSPLIT = 2
NCHUNK = ROWS_PER_TILE // CH


RPT0 = 144
RPT1 = 16
NR0TOT = NS * RPT0
assert RPT0 + RPT1 == 2 * ROWS_PER_TILE
assert RPT0 % (2 * CH) == 0 and RPT1 % (2 * CH) == 0


def _sc_gcn_body(h_hbm, src_hbm, dst_hbm, coef_hbm, out_hbm,
                 srcs_v, dsts_v, coefs_v, bufs, gsems, ssems, stgsems,
                 acc_sh):
    c = lax.axis_index("c")
    s = lax.axis_index("s")
    nz = NPAD // NS

    with jax.named_scope("zero_phase"):
        @pl.loop(0, 128)
        def _(i):
            for j in range(128 // LANES):
                bufs[0][i, pl.ds(j * LANES, LANES)] = jnp.zeros(
                    (LANES,), jnp.float32)

        for k in range(nz // 128):
            pltpu.sync_copy(bufs[0], acc_sh.at[pl.ds(s * nz + k * 128, 128)])
        plsc.subcore_barrier()

    def _run(rpt, row0):
        e0 = row0 * 128
        nchunk = rpt // CH

        def _stage(ch, p):
            pltpu.async_copy(src_hbm.at[pl.ds(row0 + ch * CH, CH)],
                             srcs_v[p], stgsems[p])
            pltpu.async_copy(dst_hbm.at[pl.ds(row0 + ch * CH, CH)],
                             dsts_v[p], stgsems[p])
            pltpu.async_copy(coef_hbm.at[pl.ds(e0 + ch * CH * 128, CH * 128)],
                             coefs_v[p], stgsems[p])

        def _wait_stage(ch, p):
            pltpu.make_async_copy(src_hbm.at[pl.ds(row0 + ch * CH, CH)],
                                  srcs_v[p], stgsems[p]).wait()
            pltpu.make_async_copy(dst_hbm.at[pl.ds(row0 + ch * CH, CH)],
                                  dsts_v[p], stgsems[p]).wait()
            pltpu.make_async_copy(
                coef_hbm.at[pl.ds(e0 + ch * CH * 128, CH * 128)],
                coefs_v[p], stgsems[p]).wait()

        def _gather(p, r, b):
            for h in range(GSPLIT):
                hs = pl.ds(h * (128 // GSPLIT), 128 // GSPLIT)
                pltpu.async_copy(h_hbm.at[srcs_v[p].at[r, hs]],
                                 bufs[b].at[hs], gsems[b])

        def _wait_gather(p, r, b):
            for h in range(GSPLIT):
                hs = pl.ds(h * (128 // GSPLIT), 128 // GSPLIT)
                pltpu.make_async_copy(h_hbm.at[srcs_v[p].at[r, hs]],
                                      bufs[b].at[hs], gsems[b]).wait()

        def _scatter(p, r, b):
            pltpu.async_copy(bufs[b], acc_sh.at[dsts_v[p].at[r]], ssems[b],
                             add=True)

        def _wait_scatter(p, r, b):
            pltpu.make_async_copy(bufs[b], acc_sh.at[dsts_v[p].at[r]],
                                  ssems[b]).wait()

        _stage(0, 0)

        @pl.loop(0, nchunk // 2)
        def _(g):
            for p in range(2):
                ch = g * 2 + p

                @pl.when(ch + 1 < nchunk)
                def _():
                    _stage(ch + 1, 1 - p)

                _wait_stage(ch, p)
                _gather(p, 0, 0)

                @pl.loop(0, CH // 2)
                def _(t):
                    for b in range(2):
                        r = t * 2 + b
                        nb = 1 - b

                        @pl.when(r + 1 < CH)
                        def _():
                            @pl.when(r >= 1)
                            def _():
                                _wait_scatter(p, r - 1, nb)

                            _gather(p, r + 1, nb)

                        _wait_gather(p, r, b)

                        @pl.loop(0, 32)
                        def _(e4):
                            for u in range(4):
                                e = e4 * 4 + u
                                cvec = plsc.load_gather(
                                    coefs_v[p],
                                    [jnp.full((LANES,), r * 128 + e,
                                              jnp.int32)])
                                for j in range(128 // LANES):
                                    sl = pl.ds(j * LANES, LANES)
                                    bufs[b][e, sl] = bufs[b][e, sl] * cvec

                        _scatter(p, r, b)

                _wait_scatter(p, CH - 2, 0)
                _wait_scatter(p, CH - 1, 1)

    with jax.named_scope("edge_phase"):
        @pl.when(c == 0)
        def _():
            _run(RPT0, s * RPT0)

        @pl.when(c == 1)
        def _():
            _run(RPT1, NR0TOT + s * RPT1)

        plsc.subcore_barrier()

    with jax.named_scope("copyout_phase"):
        for k in range(nz // 128):
            sl = pl.ds(s * nz + k * 128, 128)
            pltpu.sync_copy(acc_sh.at[sl], bufs[0])
            pltpu.sync_copy(bufs[0], out_hbm.at[c].at[sl])


@jax.jit
def _sc_gcn(h, src2d, dst2d, coef):
    return pl.kernel(
        _sc_gcn_body,
        out_type=jax.ShapeDtypeStruct((NC, NPAD, D), jnp.float32),
        mesh=_mesh,
        scratch_types=[
            [pltpu.VMEM((CH, 128), jnp.int32) for _ in range(2)],
            [pltpu.VMEM((CH, 128), jnp.int32) for _ in range(2)],
            [pltpu.VMEM((CH * 128,), jnp.float32) for _ in range(2)],
            [pltpu.VMEM((128, D), jnp.float32) for _ in range(2)],
            [pltpu.SemaphoreType.DMA for _ in range(2)],
            [pltpu.SemaphoreType.DMA for _ in range(2)],
            [pltpu.SemaphoreType.DMA for _ in range(2)],
            pltpu.VMEM_SHARED((NPAD, D), jnp.float32),
        ],
        compiler_params=_sc_params,
    )(h, src2d, dst2d, coef)


def _tc_inv_body(part_ref, inv_ref):
    deg = jnp.sum(part_ref[...], axis=(0, 1))
    inv_ref[...] = jnp.where(deg > 0.0,
                             lax.rsqrt(jnp.maximum(deg, 1e-12)), 0.0)


@jax.jit
def _tc_inv(part):
    return pl.pallas_call(
        _tc_inv_body,
        out_shape=jax.ShapeDtypeStruct((2, NPAD), jnp.float32),
    )(part)


_BLK = 2000


def _tc_pre_body(x_ref, w1_ref, wr_ref, br_ref, h1_ref, res_ref):
    x = x_ref[...]
    h1_ref[...] = jnp.dot(x, w1_ref[...], preferred_element_type=jnp.float32)
    res_ref[...] = (jnp.dot(x, wr_ref[...], preferred_element_type=jnp.float32)
                    + br_ref[...])


@jax.jit
def _tc_pre(x, W1, W_res, b_res):
    return pl.pallas_call(
        _tc_pre_body,
        grid=(N // _BLK,),
        in_specs=[
            pl.BlockSpec((_BLK, D), lambda i: (i, 0)),
            pl.BlockSpec((D, D), lambda i: (0, 0)),
            pl.BlockSpec((D, D), lambda i: (0, 0)),
            pl.BlockSpec((1, D), lambda i: (0, 0)),
        ],
        out_specs=[
            pl.BlockSpec((_BLK, D), lambda i: (i, 0)),
            pl.BlockSpec((_BLK, D), lambda i: (i, 0)),
        ],
        out_shape=[
            jax.ShapeDtypeStruct((N, D), jnp.float32),
            jax.ShapeDtypeStruct((N, D), jnp.float32),
        ],
    )(x, W1, W_res, b_res.reshape(1, D))


def _tc_mid_body(agg_ref, b_ref, w_ref, out_ref):
    a = agg_ref[0] + agg_ref[1] + b_ref[...]
    a = jnp.maximum(a, 0.0)
    out_ref[...] = jnp.dot(a, w_ref[...], preferred_element_type=jnp.float32)


@jax.jit
def _tc_mid(aggp, b, W_next):
    return pl.pallas_call(
        _tc_mid_body,
        grid=(N // _BLK,),
        in_specs=[
            pl.BlockSpec((2, _BLK, D), lambda i: (0, i, 0)),
            pl.BlockSpec((1, D), lambda i: (0, 0)),
            pl.BlockSpec((D, D), lambda i: (0, 0)),
        ],
        out_specs=pl.BlockSpec((_BLK, D), lambda i: (i, 0)),
        out_shape=jax.ShapeDtypeStruct((N, D), jnp.float32),
    )(aggp, b.reshape(1, D), W_next)


def _tc_fin_body(agg_ref, b4_ref, res_ref, wo_ref, bo_ref, out_ref):
    a = agg_ref[0] + agg_ref[1] + b4_ref[...] + res_ref[...]
    a = jnp.maximum(a, 0.0)
    out_ref[...] = (jnp.dot(a, wo_ref[...], preferred_element_type=jnp.float32)
                    + bo_ref[...])


@jax.jit
def _tc_fin(aggp, b4, res, W_op, b_op):
    C = W_op.shape[1]
    return pl.pallas_call(
        _tc_fin_body,
        grid=(N // _BLK,),
        in_specs=[
            pl.BlockSpec((2, _BLK, D), lambda i: (0, i, 0)),
            pl.BlockSpec((1, D), lambda i: (0, 0)),
            pl.BlockSpec((_BLK, D), lambda i: (i, 0)),
            pl.BlockSpec((D, C), lambda i: (0, 0)),
            pl.BlockSpec((1, C), lambda i: (0, 0)),
        ],
        out_specs=pl.BlockSpec((_BLK, C), lambda i: (i, 0)),
        out_shape=jax.ShapeDtypeStruct((N, C), jnp.float32),
    )(aggp, b4.reshape(1, D), res, W_op, b_op.reshape(1, C))


def kernel(x, edge_index, edge_weight, W_res, b_res, W1, b1, W2, b2, W3, b3,
           W4, b4, W_op, b_op):
    pad = EP - E
    src2d = jnp.pad(edge_index[0], (0, pad)).reshape(NROWS, 128)
    dst2d = jnp.pad(edge_index[1], (0, pad)).reshape(NROWS, 128)
    ew = jnp.pad(edge_weight, (0, pad))

    part = _sc_deg(src2d, dst2d, ew)
    inv = _tc_inv(part)
    coef = _sc_coef(inv, src2d, dst2d, ew)

    h1, res = _tc_pre(x, W1, W_res, b_res)

    agg1 = _sc_gcn(h1, src2d, dst2d, coef)
    h2 = _tc_mid(agg1, b1, W2)
    agg2 = _sc_gcn(h2, src2d, dst2d, coef)
    h3 = _tc_mid(agg2, b2, W3)
    agg3 = _sc_gcn(h3, src2d, dst2d, coef)
    h4 = _tc_mid(agg3, b3, W4)
    agg4 = _sc_gcn(h4, src2d, dst2d, coef)
    return _tc_fin(agg4, b4, res, W_op, b_op)

# --- scband reference (transcript-rebuilt; emitter-appended) ---
"""Pipeline reference for scband-gcn-4-layer-edge-weight-fc-45311904973178 (READ-ONLY COPY).

The authoritative reference and input builder live on the scoring server;
editing this copy changes nothing except your own understanding.
"""

import jax, jax.numpy as jnp
import numpy as np

N = 10000
E = 320000
D_IN = 128
H1 = 128
H2 = 128
H3 = 128
H4 = 128
C = 16


def setup_inputs(seed: int = 0) -> dict:
    key = jax.random.key(seed)
    ks = jax.random.split(key, 16)

    def lin(k, fan_in, fan_out):
        bound = 1.0 / np.sqrt(fan_in)
        kw, kb = jax.random.split(k)
        W = jax.random.uniform(kw, (fan_in, fan_out), jnp.float32, -bound, bound)
        b = jax.random.uniform(kb, (fan_out,), jnp.float32, -bound, bound)
        return W, b

    inp = {}
    inp['x'] = jax.random.normal(ks[0], (N, D_IN), dtype=jnp.float32)
    inp['edge_index'] = jax.random.randint(ks[1], (2, E), 0, N)
    inp['edge_weight'] = jax.random.uniform(ks[2], (E,), dtype=jnp.float32)
    inp['W_res'], inp['b_res'] = lin(ks[3], D_IN, H4)
    inp['W1'], inp['b1'] = lin(ks[4], D_IN, H1)
    inp['W2'], inp['b2'] = lin(ks[5], H1, H2)
    inp['W3'], inp['b3'] = lin(ks[6], H2, H3)
    inp['W4'], inp['b4'] = lin(ks[7], H3, H4)
    inp['W_op'], inp['b_op'] = lin(ks[8], H4, C)
    return inp


def _gcn_layer(x, src, dst, ew, W, b):
    # GraphConv with edge weights, symmetric ('both') normalization using weighted degrees
    h = x @ W
    deg_s = jnp.zeros((N,), h.dtype).at[src].add(ew)
    deg_d = jnp.zeros((N,), h.dtype).at[dst].add(ew)
    inv_s = jnp.where(deg_s > 0, jax.lax.rsqrt(jnp.maximum(deg_s, 1e-12)), 0.0)
    inv_d = jnp.where(deg_d > 0, jax.lax.rsqrt(jnp.maximum(deg_d, 1e-12)), 0.0)
    coef = ew * inv_s[src] * inv_d[dst]
    msg = h[src] * coef[:, None]
    agg = jnp.zeros((N, h.shape[1]), h.dtype).at[dst].add(msg)
    return agg + b


def reference(x, edge_index, edge_weight, W_res, b_res, W1, b1, W2, b2, W3, b3, W4, b4, W_op, b_op):
    src = edge_index[0]
    dst = edge_index[1]
    res_op = x @ W_res + b_res
    out = jax.nn.relu(_gcn_layer(x, src, dst, edge_weight, W1, b1))
    out = jax.nn.relu(_gcn_layer(out, src, dst, edge_weight, W2, b2))
    out = jax.nn.relu(_gcn_layer(out, src, dst, edge_weight, W3, b3))
    out = _gcn_layer(out, src, dst, edge_weight, W4, b4)
    out = jax.nn.relu(out + res_op)
    out = out @ W_op + b_op
    return out

if __name__ == "__main__":
    import jax
    _d = setup_inputs()
    print(jax.jit(kernel)(*tuple(_d.values())))

</pallas_src>

<mosaic_0001>
#map = affine_map<(d0, d1) -> (0, 0)>
#map1 = affine_map<(d0, d1) -> (0)>
#map2 = affine_map<(d0, d1) -> (0, 0, 0, 0)>
module attributes {stable_mosaic.version = 14 : i64} {
  func.func @_sc_deg_body(%arg0: i32, %arg1: i32, %arg2: memref<2560x128xi32, #tpu.memory_space<hbm>>, %arg3: memref<2560x128xi32, #tpu.memory_space<hbm>>, %arg4: memref<327680xf32, #tpu.memory_space<hbm>>, %arg5: memref<2x16x2x10240xf32, #tpu.memory_space<hbm>>, %arg6: memref<80x128xi32, #tpu.memory_space<vmem>>, %arg7: memref<80x128xi32, #tpu.memory_space<vmem>>, %arg8: memref<10240xf32, #tpu.memory_space<vmem>>, %arg9: memref<10240xf32, #tpu.memory_space<vmem>>, %arg10: memref<10240xf32, #tpu.memory_space<vmem>>) attributes {dimension_semantics = [#tpu.dimension_semantics<core_parallel>, #tpu.dimension_semantics<subcore_parallel>], iteration_bounds = array<i64: 2, 16>, scalar_prefetch = 0 : i64, scratch_operands = 5 : i64, tpu.core_type = #tpu.core_type<sc_vector_subcore>, window_params = [{transform_indices = #map}, {transform_indices = #map}, {transform_indices = #map1}, {transform_indices = #map2}]} {
    %mul3A = arith.constant 16 : i32
    %mul3A_0 = arith.muli %arg0, %mul3A : i32
    %add3A = arith.addi %mul3A_0, %arg1 : i32
    %mul3A_1 = arith.constant 80 : i32
    %mul3A_2 = arith.muli %add3A, %mul3A_1 : i32
    %mul3A_3 = arith.constant 10240 : i32
    %mul3A_4 = arith.muli %add3A, %mul3A_3 : i32
    %scan3A = arith.constant 0 : i32
    %scan3A_5 = arith.constant 640 : i32
    %scan3A_6 = arith.addi %scan3A, %scan3A_5 : i32
    %scan3A_7 = arith.constant 1 : i32
    scf.for %scan3A_15 = %scan3A to %scan3A_6 step %scan3A_7  : i32 {
      %mul3A_16 = arith.constant 1 : i32
      %mul3A_17 = arith.muli %scan3A_15, %mul3A_16 : i32
      %add3A_18 = arith.constant 0 : i32
      %add3A_19 = arith.addi %add3A_18, %mul3A_17 : i32
      %broadcast_in_dim3A = arith.constant 0.000000e+00 : f32
      %broadcast_in_dim3A_20 = vector.broadcast %broadcast_in_dim3A : f32 to vector<16xf32>
      %mul3A_21 = arith.constant 16 : i32
      %mul3A_22 = arith.muli %add3A_19, %mul3A_21 : i32
      %swap3A = arith.index_cast %mul3A_22 : i32 to index
      %swap3A_23 = tpu.vector_load %arg9[%swap3A] {strides = array<i32>} : memref<10240xf32, #tpu.memory_space<vmem>>, vector<16xf32>,
      tpu.vector_store %arg9[%swap3A], %broadcast_in_dim3A_20 {strides = array<i32>} : memref<10240xf32, #tpu.memory_space<vmem>>, vector<16xf32>,
      %mul3A_24 = arith.constant 16 : i32
      %mul3A_25 = arith.muli %add3A_19, %mul3A_24 : i32
      %swap3A_26 = arith.index_cast %mul3A_25 : i32 to index
      %swap3A_27 = tpu.vector_load %arg10[%swap3A_26] {strides = array<i32>} : memref<10240xf32, #tpu.memory_space<vmem>>, vector<16xf32>,
      tpu.vector_store %arg10[%swap3A_26], %broadcast_in_dim3A_20 {strides = array<i32>} : memref<10240xf32, #tpu.memory_space<vmem>>, vector<16xf32>,
    }
    %scan3A_8 = arith.constant 640 : i32
    "tpu.region"() ({
      %run_scoped3A_15 = tpu.sem_alloc : memref<!tpu.dma_semaphore, #tpu.memory_space<semaphore_mem>>
      %dma_start3A = arith.constant 0 : i32
      %dma_start3A_16 = tpu.memref_slice %arg2[%mul3A_2, %dma_start3A] : memref<2560x128xi32, #tpu.memory_space<hbm>> -> memref<80x128xi32, #tpu.memory_space<hbm>>
      %dma_start3A_17 = arith.constant 0 : i32
      %dma_start3A_18 = tpu.memref_slice %arg2[%mul3A_2, %dma_start3A_17] : memref<2560x128xi32, #tpu.memory_space<hbm>> -> memref<80x128xi32, #tpu.memory_space<hbm>>
      tpu.enqueue_dma source(%dma_start3A_18 : memref<80x128xi32, #tpu.memory_space<hbm>>) target(%arg6 : memref<80x128xi32, #tpu.memory_space<vmem>>) target_semaphore(%run_scoped3A_15 : memref<!tpu.dma_semaphore, #tpu.memory_space<semaphore_mem>>)
      %dma_wait3A = arith.constant 0 : i32
      %dma_wait3A_19 = tpu.memref_slice %arg2[%mul3A_2, %dma_wait3A] : memref<2560x128xi32, #tpu.memory_space<hbm>> -> memref<80x128xi32, #tpu.memory_space<hbm>>
      %dma_wait3A_20 = arith.constant 0 : i32
      %dma_wait3A_21 = tpu.memref_slice %arg2[%mul3A_2, %dma_wait3A_20] : memref<2560x128xi32, #tpu.memory_space<hbm>> -> memref<80x128xi32, #tpu.memory_space<hbm>>
      tpu.wait_dma2 semaphore(%run_scoped3A_15 : memref<!tpu.dma_semaphore, #tpu.memory_space<semaphore_mem>>) src(%dma_wait3A_21 : memref<80x128xi32, #tpu.memory_space<hbm>>) dst(%arg6 : memref<80x128xi32, #tpu.memory_space<vmem>>)
      tpu.yield
    }) : () -> ()
    "tpu.region"() ({
      %run_scoped3A_15 = tpu.sem_alloc : memref<!tpu.dma_semaphore, #tpu.memory_space<semaphore_mem>>
      %dma_start3A = arith.constant 0 : i32
      %dma_start3A_16 = tpu.memref_slice %arg3[%mul3A_2, %dma_start3A] : memref<2560x128xi32, #tpu.memory_space<hbm>> -> memref<80x128xi32, #tpu.memory_space<hbm>>
      %dma_start3A_17 = arith.constant 0 : i32
      %dma_start3A_18 = tpu.memref_slice %arg3[%mul3A_2, %dma_start3A_17] : memref<2560x128xi32, #tpu.memory_space<hbm>> -> memref<80x128xi32, #tpu.memory_space<hbm>>
      tpu.enqueue_dma source(%dma_start3A_18 : memref<80x128xi32, #tpu.memory_space<hbm>>) target(%arg7 : memref<80x128xi32, #tpu.memory_space<vmem>>) target_semaphore(%run_scoped3A_15 : memref<!tpu.dma_semaphore, #tpu.memory_space<semaphore_mem>>)
      %dma_wait3A = arith.constant 0 : i32
      %dma_wait3A_19 = tpu.memref_slice %arg3[%mul3A_2, %dma_wait3A] : memref<2560x128xi32, #tpu.memory_space<hbm>> -> memref<80x128xi32, #tpu.memory_space<hbm>>
      %dma_wait3A_20 = arith.constant 0 : i32
      %dma_wait3A_21 = tpu.memref_slice %arg3[%mul3A_2, %dma_wait3A_20] : memref<2560x128xi32, #tpu.memory_space<hbm>> -> memref<80x128xi32, #tpu.memory_space<hbm>>
      tpu.wait_dma2 semaphore(%run_scoped3A_15 : memref<!tpu.dma_semaphore, #tpu.memory_space<semaphore_mem>>) src(%dma_wait3A_21 : memref<80x128xi32, #tpu.memory_space<hbm>>) dst(%arg7 : memref<80x128xi32, #tpu.memory_space<vmem>>)
      tpu.yield
    }) : () -> ()
    "tpu.region"() ({
      %run_scoped3A_15 = tpu.sem_alloc : memref<!tpu.dma_semaphore, #tpu.memory_space<semaphore_mem>>
      %dma_start3A = tpu.memref_slice %arg4[%mul3A_4] : memref<327680xf32, #tpu.memory_space<hbm>> -> memref<10240xf32, #tpu.memory_space<hbm>>
      %dma_start3A_16 = tpu.memref_slice %arg4[%mul3A_4] : memref<327680xf32, #tpu.memory_space<hbm>> -> memref<10240xf32, #tpu.memory_space<hbm>>
      tpu.enqueue_dma source(%dma_start3A_16 : memref<10240xf32, #tpu.memory_space<hbm>>) target(%arg8 : memref<10240xf32, #tpu.memory_space<vmem>>) target_semaphore(%run_scoped3A_15 : memref<!tpu.dma_semaphore, #tpu.memory_space<semaphore_mem>>)
      %dma_wait3A = tpu.memref_slice %arg4[%mul3A_4] : memref<327680xf32, #tpu.memory_space<hbm>> -> memref<10240xf32, #tpu.memory_space<hbm>>
      %dma_wait3A_17 = tpu.memref_slice %arg4[%mul3A_4] : memref<327680xf32, #tpu.memory_space<hbm>> -> memref<10240xf32, #tpu.memory_space<hbm>>
      tpu.wait_dma2 semaphore(%run_scoped3A_15 : memref<!tpu.dma_semaphore, #tpu.memory_space<semaphore_mem>>) src(%dma_wait3A_17 : memref<10240xf32, #tpu.memory_space<hbm>>) dst(%arg8 : memref<10240xf32, #tpu.memory_space<vmem>>)
      tpu.yield
    }) : () -> ()
    %scan3A_9 = arith.constant 0 : i32
    %scan3A_10 = arith.constant 80 : i32
    %scan3A_11 = arith.addi %scan3A_9, %scan3A_10 : i32
    %scan3A_12 = arith.constant 1 : i32
    scf.for %scan3A_15 = %scan3A_9 to %scan3A_11 step %scan3A_12  : i32 {
      %mul3A_16 = arith.constant 1 : i32
      %mul3A_17 = arith.muli %scan3A_15, %mul3A_16 : i32
      %add3A_18 = arith.constant 0 : i32
      %add3A_19 = arith.addi %add3A_18, %mul3A_17 : i32
      %mul3A_20 = arith.constant 128 : i32
      %mul3A_21 = arith.muli %add3A_19, %mul3A_20 : i32
      %add3A_22 = arith.constant 0 : i32
      %add3A_23 = arith.addi %mul3A_21, %add3A_22 : i32
      %get3A = arith.index_cast %add3A_23 : i32 to index
      %get3A_24 = tpu.vector_load %arg8[%get3A] {strides = array<i32>} : memref<10240xf32, #tpu.memory_space<vmem>>, vector<16xf32>,
      %get3A_25 = arith.index_cast %add3A_19 : i32 to index
      %get3A_26 = arith.constant 0 : index
      %get3A_27 = tpu.vector_load %arg6[%get3A_25, %get3A_26] {strides = array<i32>} : memref<80x128xi32, #tpu.memory_space<vmem>>, vector<16xi32>,
      tpu.vector_store_idx %arg9[%get3A_27], %get3A_24 {add = true} : memref<10240xf32, #tpu.memory_space<vmem>>[vector<16xi32>], vector<16xf32>,
      %get3A_28 = arith.index_cast %add3A_19 : i32 to index
      %get3A_29 = arith.constant 0 : index
      %get3A_30 = tpu.vector_load %arg7[%get3A_28, %get3A_29] {strides = array<i32>} : memref<80x128xi32, #tpu.memory_space<vmem>>, vector<16xi32>,
      tpu.vector_store_idx %arg10[%get3A_30], %get3A_24 {add = true} : memref<10240xf32, #tpu.memory_space<vmem>>[vector<16xi32>], vector<16xf32>,
      %mul3A_31 = arith.constant 128 : i32
      %mul3A_32 = arith.muli %add3A_19, %mul3A_31 : i32
      %add3A_33 = arith.constant 16 : i32
      %add3A_34 = arith.addi %mul3A_32, %add3A_33 : i32
      %get3A_35 = arith.index_cast %add3A_34 : i32 to index
      %get3A_36 = tpu.vector_load %arg8[%get3A_35] {strides = array<i32>} : memref<10240xf32, #tpu.memory_space<vmem>>, vector<16xf32>,
      %get3A_37 = arith.index_cast %add3A_19 : i32 to index
      %get3A_38 = arith.constant 16 : index
      %get3A_39 = tpu.vector_load %arg6[%get3A_37, %get3A_38] {strides = array<i32>} : memref<80x128xi32, #tpu.memory_space<vmem>>, vector<16xi32>,
      tpu.vector_store_idx %arg9[%get3A_39], %get3A_36 {add = true} : memref<10240xf32, #tpu.memory_space<vmem>>[vector<16xi32>], vector<16xf32>,
      %get3A_40 = arith.index_cast %add3A_19 : i32 to index
      %get3A_41 = arith.constant 16 : index
      %get3A_42 = tpu.vector_load %arg7[%get3A_40, %get3A_41] {strides = array<i32>} : memref<80x128xi32, #tpu.memory_space<vmem>>, vector<16xi32>,
      tpu.vector_store_idx %arg10[%get3A_42], %get3A_36 {add = true} : memref<10240xf32, #tpu.memory_space<vmem>>[vector<16xi32>], vector<16xf32>,
      %mul3A_43 = arith.constant 128 : i32
      %mul3A_44 = arith.muli %add3A_19, %mul3A_43 : i32
      %add3A_45 = arith.constant 32 : i32
      %add3A_46 = arith.addi %mul3A_44, %add3A_45 : i32
      %get3A_47 = arith.index_cast %add3A_46 : i32 to index
      %get3A_48 = tpu.vector_load %arg8[%get3A_47] {strides = array<i32>} : memref<10240xf32, #tpu.memory_space<vmem>>, vector<16xf32>,
      %get3A_49 = arith.index_cast %add3A_19 : i32 to index
      %get3A_50 = arith.constant 32 : index
      %get3A_51 = tpu.vector_load %arg6[%get3A_49, %get3A_50] {strides = array<i32>} : memref<80x128xi32, #tpu.memory_space<vmem>>, vector<16xi32>,
      tpu.vector_store_idx %arg9[%get3A_51], %get3A_48 {add = true} : memref<10240xf32, #tpu.memory_space<vmem>>[vector<16xi32>], vector<16xf32>,
      %get3A_52 = arith.index_cast %add3A_19 : i32 to index
      %get3A_53 = arith.constant 32 : index
      %get3A_54 = tpu.vector_load %arg7[%get3A_52, %get3A_53] {strides = array<i32>} : memref<80x128xi32, #tpu.memory_space<vmem>>, vector<16xi32>,
      tpu.vector_store_idx %arg10[%get3A_54], %get3A_48 {add = true} : memref<10240xf32, #tpu.memory_space<vmem>>[vector<16xi32>], vector<16xf32>,
      %mul3A_55 = arith.constant 128 : i32
      %mul3A_56 = arith.muli %add3A_19, %mul3A_55 : i32
      %add3A_57 = arith.constant 48 : i32
      %add3A_58 = arith.addi %mul3A_56, %add3A_57 : i32
      %get3A_59 = arith.index_cast %add3A_58 : i32 to index
      %get3A_60 = tpu.vector_load %arg8[%get3A_59] {strides = array<i32>} : memref<10240xf32, #tpu.memory_space<vmem>>, vector<16xf32>,
      %get3A_61 = arith.index_cast %add3A_19 : i32 to index
      %get3A_62 = arith.constant 48 : index
      %get3A_63 = tpu.vector_load %arg6[%get3A_61, %get3A_62] {strides = array<i32>} : memref<80x128xi32, #tpu.memory_space<vmem>>, vector<16xi32>,
      tpu.vector_store_idx %arg9[%get3A_63], %get3A_60 {add = true} : memref<10240xf32, #tpu.memory_space<vmem>>[vector<16xi32>], vector<16xf32>,
      %get3A_64 = arith.index_cast %add3A_19 : i32 to index
      %get3A_65 = arith.constant 48 : index
      %get3A_66 = tpu.vector_load %arg7[%get3A_64, %get3A_65] {strides = array<i32>} : memref<80x128xi32, #tpu.memory_space<vmem>>, vector<16xi32>,
      tpu.vector_store_idx %arg10[%get3A_66], %get3A_60 {add = true} : memref<10240xf32, #tpu.memory_space<vmem>>[vector<16xi32>], vector<16xf32>,
      %mul3A_67 = arith.constant 128 : i32
      %mul3A_68 = arith.muli %add3A_19, %mul3A_67 : i32
      %add3A_69 = arith.constant 64 : i32
      %add3A_70 = arith.addi %mul3A_68, %add3A_69 : i32
      %get3A_71 = arith.index_cast %add3A_70 : i32 to index
      %get3A_72 = tpu.vector_load %arg8[%get3A_71] {strides = array<i32>} : memref<10240xf32, #tpu.memory_space<vmem>>, vector<16xf32>,
      %get3A_73 = arith.index_cast %add3A_19 : i32 to index
      %get3A_74 = arith.constant 64 : index
      %get3A_75 = tpu.vector_load %arg6[%get3A_73, %get3A_74] {strides = array<i32>} : memref<80x128xi32, #tpu.memory_space<vmem>>, vector<16xi32>,
      tpu.vector_store_idx %arg9[%get3A_75], %get3A_72 {add = true} : memref<10240xf32, #tpu.memory_space<vmem>>[vector<16xi32>], vector<16xf32>,
      %get3A_76 = arith.index_cast %add3A_19 : i32 to index
      %get3A_77 = arith.constant 64 : index
      %get3A_78 = tpu.vector_load %arg7[%get3A_76, %get3A_77] {strides = array<i32>} : memref<80x128xi32, #tpu.memory_space<vmem>>, vector<16xi32>,
      tpu.vector_store_idx %arg10[%get3A_78], %get3A_72 {add = true} : memref<10240xf32, #tpu.memory_space<vmem>>[vector<16xi32>], vector<16xf32>,
      %mul3A_79 = arith.constant 128 : i32
      %mul3A_80 = arith.muli %add3A_19, %mul3A_79 : i32
      %add3A_81 = arith.constant 80 : i32
      %add3A_82 = arith.addi %mul3A_80, %add3A_81 : i32
      %get3A_83 = arith.index_cast %add3A_82 : i32 to index
      %get3A_84 = tpu.vector_load %arg8[%get3A_83] {strides = array<i32>} : memref<10240xf32, #tpu.memory_space<vmem>>, vector<16xf32>,
      %get3A_85 = arith.index_cast %add3A_19 : i32 to index
      %get3A_86 = arith.constant 80 : index
      %get3A_87 = tpu.vector_load %arg6[%get3A_85, %get3A_86] {strides = array<i32>} : memref<80x128xi32, #tpu.memory_space<vmem>>, vector<16xi32>,
      tpu.vector_store_idx %arg9[%get3A_87], %get3A_84 {add = true} : memref<10240xf32, #tpu.memory_space<vmem>>[vector<16xi32>], vector<16xf32>,
      %get3A_88 = arith.index_cast %add3A_19 : i32 to index
      %get3A_89 = arith.constant 80 : index
      %get3A_90 = tpu.vector_load %arg7[%get3A_88, %get3A_89] {strides = array<i32>} : memref<80x128xi32, #tpu.memory_space<vmem>>, vector<16xi32>,
      tpu.vector_store_idx %arg10[%get3A_90], %get3A_84 {add = true} : memref<10240xf32, #tpu.memory_space<vmem>>[vector<16xi32>], vector<16xf32>,
      %mul3A_91 = arith.constant 128 : i32
      %mul3A_92 = arith.muli %add3A_19, %mul3A_91 : i32
      %add3A_93 = arith.constant 96 : i32
      %add3A_94 = arith.addi %mul3A_92, %add3A_93 : i32
      %get3A_95 = arith.index_cast %add3A_94 : i32 to index
      %get3A_96 = tpu.vector_load %arg8[%get3A_95] {strides = array<i32>} : memref<10240xf32, #tpu.memory_space<vmem>>, vector<16xf32>,
      %get3A_97 = arith.index_cast %add3A_19 : i32 to index
      %get3A_98 = arith.constant 96 : index
      %get3A_99 = tpu.vector_load %arg6[%get3A_97, %get3A_98] {strides = array<i32>} : memref<80x128xi32, #tpu.memory_space<vmem>>, vector<16xi32>,
      tpu.vector_store_idx %arg9[%get3A_99], %get3A_96 {add = true} : memref<10240xf32, #tpu.memory_space<vmem>>[vector<16xi32>], vector<16xf32>,
      %get3A_100 = arith.index_cast %add3A_19 : i32 to index
      %get3A_101 = arith.constant 96 : index
      %get3A_102 = tpu.vector_load %arg7[%get3A_100, %get3A_101] {strides = array<i32>} : memref<80x128xi32, #tpu.memory_space<vmem>>, vector<16xi32>,
      tpu.vector_store_idx %arg10[%get3A_102], %get3A_96 {add = true} : memref<10240xf32, #tpu.memory_space<vmem>>[vector<16xi32>], vector<16xf32>,
      %mul3A_103 = arith.constant 128 : i32
      %mul3A_104 = arith.muli %add3A_19, %mul3A_103 : i32
      %add3A_105 = arith.constant 112 : i32
      %add3A_106 = arith.addi %mul3A_104, %add3A_105 : i32
      %get3A_107 = arith.index_cast %add3A_106 : i32 to index
      %get3A_108 = tpu.vector_load %arg8[%get3A_107] {strides = array<i32>} : memref<10240xf32, #tpu.memory_space<vmem>>, vector<16xf32>,
      %get3A_109 = arith.index_cast %add3A_19 : i32 to index
      %get3A_110 = arith.constant 112 : index
      %get3A_111 = tpu.vector_load %arg6[%get3A_109, %get3A_110] {strides = array<i32>} : memref<80x128xi32, #tpu.memory_space<vmem>>, vector<16xi32>,
      tpu.vector_store_idx %arg9[%get3A_111], %get3A_108 {add = true} : memref<10240xf32, #tpu.memory_space<vmem>>[vector<16xi32>], vector<16xf32>,
      %get3A_112 = arith.index_cast %add3A_19 : i32 to index
      %get3A_113 = arith.constant 112 : index
      %get3A_114 = tpu.vector_load %arg7[%get3A_112, %get3A_113] {strides = array<i32>} : memref<80x128xi32, #tpu.memory_space<vmem>>, vector<16xi32>,
      tpu.vector_store_idx %arg10[%get3A_114], %get3A_108 {add = true} : memref<10240xf32, #tpu.memory_space<vmem>>[vector<16xi32>], vector<16xf32>,
    }
    %scan3A_13 = arith.constant 80 : i32
    %run_scoped3A = arith.constant 0 : i32
    "tpu.region"() ({
      %run_scoped3A_15 = tpu.sem_alloc : memref<!tpu.dma_semaphore, #tpu.memory_space<semaphore_mem>>
      %dma_start3A = arith.constant 0 : i32
      %dma_start3A_16 = tpu.memref_slice %arg5[%arg0, %arg1, %run_scoped3A, %dma_start3A] : memref<2x16x2x10240xf32, #tpu.memory_space<hbm>> -> memref<1x1x1x10240xf32, #tpu.memory_space<hbm>>
      %dma_start3A_17 = tpu.memref_squeeze %dma_start3A_16 : memref<1x1x1x10240xf32, #tpu.memory_space<hbm>> -> memref<10240xf32, #tpu.memory_space<hbm>>
      %dma_start3A_18 = arith.constant 0 : i32
      %dma_start3A_19 = tpu.memref_slice %arg5[%arg0, %arg1, %run_scoped3A, %dma_start3A_18] : memref<2x16x2x10240xf32, #tpu.memory_space<hbm>> -> memref<1x1x1x10240xf32, #tpu.memory_space<hbm>>
      %dma_start3A_20 = tpu.memref_squeeze %dma_start3A_19 : memref<1x1x1x10240xf32, #tpu.memory_space<hbm>> -> memref<10240xf32, #tpu.memory_space<hbm>>
      tpu.enqueue_dma source(%arg9 : memref<10240xf32, #tpu.memory_space<vmem>>) target(%dma_start3A_20 : memref<10240xf32, #tpu.memory_space<hbm>>) target_semaphore(%run_scoped3A_15 : memref<!tpu.dma_semaphore, #tpu.memory_space<semaphore_mem>>)
      %dma_wait3A = arith.constant 0 : i32
      %dma_wait3A_21 = tpu.memref_slice %arg5[%arg0, %arg1, %run_scoped3A, %dma_wait3A] : memref<2x16x2x10240xf32, #tpu.memory_space<hbm>> -> memref<1x1x1x10240xf32, #tpu.memory_space<hbm>>
      %dma_wait3A_22 = tpu.memref_squeeze %dma_wait3A_21 : memref<1x1x1x10240xf32, #tpu.memory_space<hbm>> -> memref<10240xf32, #tpu.memory_space<hbm>>
      %dma_wait3A_23 = arith.constant 0 : i32
      %dma_wait3A_24 = tpu.memref_slice %arg5[%arg0, %arg1, %run_scoped3A, %dma_wait3A_23] : memref<2x16x2x10240xf32, #tpu.memory_space<hbm>> -> memref<1x1x1x10240xf32, #tpu.memory_space<hbm>>
      %dma_wait3A_25 = tpu.memref_squeeze %dma_wait3A_24 : memref<1x1x1x10240xf32, #tpu.memory_space<hbm>> -> memref<10240xf32, #tpu.memory_space<hbm>>
      tpu.wait_dma2 semaphore(%run_scoped3A_15 : memref<!tpu.dma_semaphore, #tpu.memory_space<semaphore_mem>>) src(%arg9 : memref<10240xf32, #tpu.memory_space<vmem>>) dst(%dma_wait3A_25 : memref<10240xf32, #tpu.memory_space<hbm>>)
      tpu.yield
    }) : () -> ()
    %run_scoped3A_14 = arith.constant 1 : i32
    "tpu.region"() ({
      %run_scoped3A_15 = tpu.sem_alloc : memref<!tpu.dma_semaphore, #tpu.memory_space<semaphore_mem>>
      %dma_start3A = arith.constant 0 : i32
      %dma_start3A_16 = tpu.memref_slice %arg5[%arg0, %arg1, %run_scoped3A_14, %dma_start3A] : memref<2x16x2x10240xf32, #tpu.memory_space<hbm>> -> memref<1x1x1x10240xf32, #tpu.memory_space<hbm>>
      %dma_start3A_17 = tpu.memref_squeeze %dma_start3A_16 : memref<1x1x1x10240xf32, #tpu.memory_space<hbm>> -> memref<10240xf32, #tpu.memory_space<hbm>>
      %dma_start3A_18 = arith.constant 0 : i32
      %dma_start3A_19 = tpu.memref_slice %arg5[%arg0, %arg1, %run_scoped3A_14, %dma_start3A_18] : memref<2x16x2x10240xf32, #tpu.memory_space<hbm>> -> memref<1x1x1x10240xf32, #tpu.memory_space<hbm>>
      %dma_start3A_20 = tpu.memref_squeeze %dma_start3A_19 : memref<1x1x1x10240xf32, #tpu.memory_space<hbm>> -> memref<10240xf32, #tpu.memory_space<hbm>>
      tpu.enqueue_dma source(%arg10 : memref<10240xf32, #tpu.memory_space<vmem>>) target(%dma_start3A_20 : memref<10240xf32, #tpu.memory_space<hbm>>) target_semaphore(%run_scoped3A_15 : memref<!tpu.dma_semaphore, #tpu.memory_space<semaphore_mem>>)
      %dma_wait3A = arith.constant 0 : i32
      %dma_wait3A_21 = tpu.memref_slice %arg5[%arg0, %arg1, %run_scoped3A_14, %dma_wait3A] : memref<2x16x2x10240xf32, #tpu.memory_space<hbm>> -> memref<1x1x1x10240xf32, #tpu.memory_space<hbm>>
      %dma_wait3A_22 = tpu.memref_squeeze %dma_wait3A_21 : memref<1x1x1x10240xf32, #tpu.memory_space<hbm>> -> memref<10240xf32, #tpu.memory_space<hbm>>
      %dma_wait3A_23 = arith.constant 0 : i32
      %dma_wait3A_24 = tpu.memref_slice %arg5[%arg0, %arg1, %run_scoped3A_14, %dma_wait3A_23] : memref<2x16x2x10240xf32, #tpu.memory_space<hbm>> -> memref<1x1x1x10240xf32, #tpu.memory_space<hbm>>
      %dma_wait3A_25 = tpu.memref_squeeze %dma_wait3A_24 : memref<1x1x1x10240xf32, #tpu.memory_space<hbm>> -> memref<10240xf32, #tpu.memory_space<hbm>>
      tpu.wait_dma2 semaphore(%run_scoped3A_15 : memref<!tpu.dma_semaphore, #tpu.memory_space<semaphore_mem>>) src(%arg10 : memref<10240xf32, #tpu.memory_space<vmem>>) dst(%dma_wait3A_25 : memref<10240xf32, #tpu.memory_space<hbm>>)
      tpu.yield
    }) : () -> ()
    return
  }
}

</mosaic_0001>

<sc_bundles>
// kernel: _sc_deg.3.cloned.1.call-start
scs
__scs_entry_jumppad:
0x0: {  	(pc) =	sbr.rel $0x88, $3  }
0x1: {  	(tag) =	ssettag $0x0;
	lr =	simm.s32 $0x1  }
0x2: {  	[smem:$0x3F9E] =	sst lr;
	_ =	strace $0xD0000000  }
0x3: {  	_ = 	snop  }
0x4: {  	_ = 	snop  }
0x5: {  	_ = 	snop  }
0x6: {  	_ = 	snop  }
0x7: {  	_ = 	snop  }
__scs_overlays_trampoline_lowered:
0x8: {  	[smem:$0x3FAD] =	sst s0  }
0x9: {  	[smem:$0x3FAE] =	sst s1  }
0xa: {  	[smem:$0x3FAF] =	sst s2  }
0xb: {  	[smem:$0x3FB0] =	sst s3  }
0xc: {  	[smem:$0x3FB1] =	sst s4  }
0xd: {  	[smem:$0x3FB2] =	sst s5  }
0xe: {  	[smem:$0x3FB3] =	sst s6  }
0xf: {  	[smem:$0x3FB4] =	sst s7  }
0x10: {  	[smem:$0x3FB5] =	sst s8  }
0x11: {  	[smem:$0x3FB6] =	sst s9;
	s0 =	simm.s32 @!p0 $0x0  }
0x12: {  	s1 =	sld [smem:$0x3F9C];
	s0 =	simm.s32 @p0 $0x1  }
0x13: {  	[smem:$0x3FB7] =	sst s0;
	s0 =	simm.s32 @!p1 $0x0  }
0x14: {  	s2 =	sld [smem:$0x3F9B];
	s0 =	simm.s32 @p1 $0x1  }
0x15: {  	[smem:$0x3FB8] =	sst s0;
	s0 =	simm.s32 @!p2 $0x0  }
0x16: {  	s3 =	sld [smem:$0x3FDB];
	s0 =	simm.s32 @p2 $0x1  }
0x17: {  	s4 =	simm.s32 $0x1BF5;
	[smem:$0x3FBA] =	sst s0  }
0x18: {  	s0 =	sld [smem:$0x3F9D];
	_ =	swait.ge [sflag:s4], $0x0  }
0x19: {  	s7 =	sld [smem:$0x3F9E]  }
0x1a: {  	s8 =	sadd.s32 $0xFFFFE003, lr  }
0x1b: {  	s9 =	sadd.s32 $0xFFFFFEF7, lr;
	s5 =	simm.s32 $0xFFFFFFFF;
	p2 =	slt.u32 s8, $0xFFFFF086  }
0x1c: {  	p1 =	slt.u32 s9, $0xF7A;
	s5 =	simm.s32 @!p2 $0x0  }
0x1d: {  	s5 =	simm.s32 @p1 $0x1;
	p0 =	seq.s32 s7, s2  }
0x1e: {  	s7 =	smul.u32 @!p0 $0xF7A, s2;
	p2 =	seq.s32 @!p0 s5, $0x0  }
0x1f: {  	s9 =	smul.u32 $0xF7A, s1;
	s8 =	simm.s32 @!p0 $0x1BF5;
	p2 =	por !p2, p0  }
0x20: {  	[sflag:s8] =	ssyncset.s32 @!p0 $0xFFFFF086;
	s6 =	sadd.s32 @!p0 s3, s7;
	s7 =	simm.s32 @!p0 $0x108  }
0x21: {  	s3 =	sadd.s32 s3, s9;
	s6 =	sadd.s32 @!p0 $0x88, s6;
	s7 =	simm.s32 @p2 $0x1082  }
0x22: {  	[simem:s7], [sflag:s8] =	dma.local @!p0 [hbm:s6], $0xF7A  }
0x23: {  	s9 =	sor.u32 $0xD0000000, s2;
	s6 =	simm.s32 $0x108;
	_ =	swait.ge @!p0 [sflag:s8], $0x0  }
0x24: {  	s3 =	sadd.s32 $0x88, s3;
	s6 =	simm.s32 @!p1 $0x1082;
	[sflag:s4] =	ssyncset.s32 $0xFFFFF086  }
0x25: {  	[simem:s6], [sflag:s4] =	dma.local [hbm:s3], $0xF7A  }
0x26: {  	[smem:$0x3F9E] =	sst s1;
	(tag) =	ssettag s2;
	_ =	strace s9  }
0x27: {  	s1 =	sld [smem:$0x3FAE]  }
0x28: {  	s2 =	sld [smem:$0x3FAF]  }
0x29: {  	s4 =	sld [smem:$0x3FB1]  }
0x2a: {  	p0 =	seq.s32 s5, $0x0;
	s5 =	sld [smem:$0x3FB2]  }
0x2b: {  	s6 =	sld [smem:$0x3FB3]  }
0x2c: {  	s7 =	sld [smem:$0x3FB4]  }
0x2d: {  	s3 =	simm.s32 $0x108;
	s8 =	sld [smem:$0x3FB5]  }
0x2e: {  	s3 =	simm.s32 @!p0 $0x1082;
	s9 =	sld [smem:$0x3FB6]  }
0x2f: {  	lr =	sadd.s32 s0, s3;
	s0 =	sld [smem:$0x3FAD]  }
0x30: {  	s3 =	sld [smem:$0x3FB0]  }
0x31: {  	[smem:$0x3FB9] =	sst s10  }
0x32: {  	s10 =	sld [smem:$0x3FB7];
	_ =	sdelay $0x3  }
0x33: {  	p0 =	seq.s32 s10, $0x1;
	s10 =	sld [smem:$0x3FB9];
	_ =	sdelay $0x3  }
0x34: {  	[smem:$0x3FB9] =	sst s10  }
0x35: {  	s10 =	sld [smem:$0x3FB8];
	_ =	sdelay $0x3  }
0x36: {  	p1 =	seq.s32 s10, $0x1;
	s10 =	sld [smem:$0x3FB9];
	_ =	sdelay $0x3  }
0x37: {  	[smem:$0x3FB9] =	sst s10  }
0x38: {  	s10 =	sld [smem:$0x3FBA]  }
0x39: {  	_ = 	snop;
	(pc) =	sbr.ind lr, $3  }
0x3a: {  	_ = 	snop  }
0x3b: {  	_ = 	snop  }
0x3c: {  	p2 =	seq.s32 s10, $0x1;
	s10 =	sld [smem:$0x3FB9]  }
0x3d: {  	_ =	shalt  }
0x3e: {  	_ =	shalt  }
0x3f: {  	_ =	shalt  }
0x40: {  	_ =	shalt  }
0x41: {  	_ =	shalt  }
0x42: {  	_ =	shalt  }
0x43: {  	_ =	shalt  }
0x44: {  	_ =	shalt  }
0x45: {  	_ =	shalt  }
0x46: {  	_ =	shalt  }
0x47: {  	_ =	shalt  }
0x48: {  	_ =	shalt  }
0x49: {  	_ =	shalt  }
0x4a: {  	_ =	shalt  }
0x4b: {  	_ =	shalt  }
0x4c: {  	_ =	shalt  }
0x4d: {  	_ =	shalt  }
0x4e: {  	_ =	shalt  }
0x4f: {  	_ =	shalt  }
0x50: {  	_ =	shalt  }
0x51: {  	_ =	shalt  }
0x52: {  	_ =	shalt  }
0x53: {  	_ =	shalt  }
0x54: {  	_ =	shalt  }
0x55: {  	_ =	shalt  }
0x56: {  	_ =	shalt  }
0x57: {  	_ =	shalt  }
0x58: {  	_ =	shalt  }
0x59: {  	_ =	shalt  }
0x5a: {  	_ =	shalt  }
0x5b: {  	_ =	shalt  }
0x5c: {  	_ =	shalt  }
0x5d: {  	_ =	shalt  }
0x5e: {  	_ =	shalt  }
0x5f: {  	_ =	shalt  }
0x60: {  	_ =	shalt  }
0x61: {  	_ =	shalt  }
0x62: {  	_ =	shalt  }
0x63: {  	_ =	shalt  }
0x64: {  	_ =	shalt  }
0x65: {  	_ =	shalt  }
0x66: {  	_ =	shalt  }
0x67: {  	_ =	shalt  }
0x68: {  	_ =	shalt  }
0x69: {  	_ =	shalt  }
0x6a: {  	_ =	shalt  }
0x6b: {  	_ =	shalt  }
0x6c: {  	_ =	shalt  }
0x6d: {  	_ =	shalt  }
0x6e: {  	_ =	shalt  }
0x6f: {  	_ =	shalt  }
0x70: {  	_ =	shalt  }
0x71: {  	_ =	shalt  }
0x72: {  	_ =	shalt  }
0x73: {  	_ =	shalt  }
0x74: {  	_ =	shalt  }
0x75: {  	_ =	shalt  }
0x76: {  	_ =	shalt  }
0x77: {  	_ =	shalt  }
0x78: {  	_ =	shalt  }
0x79: {  	_ =	shalt  }
0x7a: {  	_ =	shalt  }
0x7b: {  	_ =	shalt  }
0x7c: {  	_ =	shalt  }
0x7d: {  	_ =	shalt  }
0x7e: {  	_ =	shalt  }
0x7f: {  	_ =	shalt  }
0x80: {  	_ =	shalt  }
0x81: {  	_ =	shalt  }
0x82: {  	_ =	shalt  }
0x83: {  	_ =	shalt  }
0x84: {  	_ =	shalt  }
0x85: {  	_ =	shalt  }
0x86: {  	_ =	shalt  }
0x87: {  	_ =	shalt  }
.Lfunc_end0:
.L_simem_size_0:
called_computation_lowered:
.L_overlay_start_0:
0x88: {  	s2 =	sld [smem:$0x3FD9]  }
0x89: {  	s3 =	sld [smem:$0x3FFE];
	_ =	sdelay $0x1  }
0x8a: {  	s1 =	srdreg.scid  }
0x8b: {  	s0 =	sand.u32 $0x1, s1  }
0x8c: {  	s18 =	sshll.u32 s0, $0xA;
	s2 =	sadd.s32 s3, s2  }
0x8d: {  	s2 =	sadd.s32 s2, s18  }
0x8e: {  	[smem:$0x3FC5] =	sst s2  }
0x8f: {  	_ = 	snop  }
0x90: {  	s2 =	sld [smem:$0x3FC9]  }
0x91: {  	s19 =	sld [smem:$0x3FC8]  }
0x92: {  	s4 =	sld [smem:$0x3FC7]  }
0x93: {  	s5 =	sld [smem:$0x3FD0];
	(tm) =	ssettm $0x1  }
0x94: {  	s6 =	sld [smem:$0x3FFB];
	_ =	sdelay $0x3  }
0x95: {  	_ =	strace s6  }
0x96: {  	s6 =	sld [smem:$0x3FFC];
	_ =	sdelay $0x3  }
0x97: {  	_ =	strace s6  }
0x98: {  	s6 =	sld [smem:$0x3FFD];
	_ =	sdelay $0x3  }
0x99: {  	_ =	strace s6  }
0x9a: {  	_ =	strace $0x8FFFFFFF  }
0x9b: {  	s20 =	sld [smem:$0x3FDB];
	_ =	sdelay $0x1  }
0x9c: {  	s7 =	simm.s32 $_scs_section_size  }
0x9d: {  	s8 =	simm.s32 $_size__tile_overlayer_lowered;
	s9 =	simm.s32 $_tile_overlayer_lowered  }
0x9e: {  	s23 =	simm.s32 $0x1BFF;
	s22 =	sshll.u32 s9, $0x1;
	s6 =	sadd.s32 s7, s20  }
0x9f: {  	s10 =	simm.s32 $0x0;
	s21 =	sshll.u32 s8, $0x1;
	s8 =	sadd.s32 s22, s6  }
0xa0: {  	[timem:s10], [sflag:s23] =	dma.local [hbm:s8], s21  }
0xa1: {  	_ =	swait.ge [sflag:s23], s21  }
0xa2: {  	s7 =	ssub.s32 $0x0, s21;
	[sflag:s23] =	ssyncset.done $0x0  }
0xa3: {  	[sflag:s23] =	ssyncadd.s32 s7;
	_ =	sdelay $0x1  }
0xa4: {  	s24 =	simm.s32 $0x1B8B  }
0xa5: {  	_ =	swait.ge [sflag:s24], $0x1  }
0xa6: {  	[sflag:s24] =	ssyncset.done $0x0  }
0xa7: {  	s25 =	simm.s32 $0x1B8E;
	[sflag:s24] =	ssyncadd.s32 $0xFFFFFFFF  }
0xa8: {  	s26 =	simm.s32 $execute0_lowered;
	[smem:$0x3FD2] =	sst s25  }
0xa9: {  	s7 =	sshll.u32 s26, $0x1;
	_ =	strace $0x80000046;
	[dreg:$0x1] =	wrdreg $0xFFFFFFFF  }
0xaa: {  	s28 =	simm.s32 $_size_execute0_lowered;
	s6 =	sadd.s32 s6, s7;
	[dreg:$0x0] =	wrdreg $0x0  }
0xab: {  	s7 =	sshll.u32 s28, $0x1;
	[dreg:$0x2] =	wrdreg s6  }
0xac: {  	[dreg:$0x3] =	wrdreg s7  }
0xad: {  	[dreg:$0x4] =	wrdreg $0xC0  }
0xae: {  	_ =	task [dreg:s10], $0x5FFFF  }
0xaf: {  	[dreg:$0x1] =	wrdreg $0xFFFFFFFF  }
0xb0: {  	[dreg:$0x0] =	wrdreg $0x60  }
0xb1: {  	[dreg:$0x2] =	wrdreg s2  }
0xb2: {  	[dreg:$0x3] =	wrdreg s19  }
0xb3: {  	[dreg:$0x4] =	wrdreg s4  }
0xb4: {  	[dreg:$0x5] =	wrdreg s5  }
0xb5: {  	[dreg:$0x6] =	wrdreg $0x9  }
0xb6: {  	_ =	task.clear_ibuf [dreg:s10], $0x7FFFF;
	_ =	strace $0x90000046  }
0xb7: {  	s29 =	simm.s32 $0x9;
	_ =	strace $0x80000048  }
0xb8: {  	_ =	swait.ge [sflag:s29], $0x1  }
0xb9: {  	[sflag:s29] =	ssyncadd.s32 $0xFFFFFFFF  }
0xba: {  	_ =	strace $0x90000048  }
0xbb: {  	_ =	sfence  }
0xbc: {  	s30 =	sld [smem:$0x0];
	_ =	sdelay $0x2  }
0xbd: {  	s31 =	sshll.u32 s1, $0xD;
	s1 =	sshrl.u32 s1, $0x2  }
0xbe: {  	s3 =	sand.u32 $0x4000, s31;
	s1 =	sadd.s32 s1, s30  }
0xbf: {  	s0 =	sor.u32 s3, s0;
	s1 =	sshll.u32 s1, $0x11  }
0xc0: {  	s0 =	sor.u32 s1, s0  }
0xc1: {  	s0 =	sadd.s32 $0x8F2B, s0  }
0xc2: {  	[sflag:s0] =	ssyncadd.remote.s32 $0x1  }
0xc3: {  	_ =	sfence.sel $0xFFFF  }
0xc4: {  	[dreg:$0x0] =	wrdreg $0xFFFFFFFF;
	(pc) =	sbr.abs _section_cstart, $3  }
0xc5: {  	[dreg:$0x1] =	wrdreg $0xFFFFFFFF  }
0xc6: {  	_ =	task.clear_ibuf [dreg:s10], $0x2FFFF;
	_ =	strace $0x9FFFFFFF  }
0xc7: {  	(tm) =	ssettm $0x7FFFFFFF  }
tec
execute0_lowered:
.L_overlay_start_1:
0x0: {  	(tag) =	ssettag $0x1  }
0x1: {  	s3 =	rddreg [dreg:$0x0]  }
0x2: {  	s4 =	rddreg [dreg:$0x1]  }
0x3: {  	s5 =	rddreg [dreg:$0x2]  }
0x4: {  	s6 =	rddreg [dreg:$0x3]  }
0x5: {  	s1 =	srdreg.scid;
	s0 =	rddreg [dreg:$0x4];
	s2 =	simm.s32 $0x0  }
0x6: {  	s12 =	simm.s32 $0x7800;
	s13 =	simm.s32 $0xA000;
	s14 =	simm.s32 $0x80  }
0x7: {  	s15 =	simm.s32 $0x100;
	s7 =	sand.u32 $0x1, s1;
	s1 =	stileid.u32  }
0x8: {  	[smem:$0x7FF] =	sst s2;
	s8 =	sshll.u32 s7, $0x4;
	s9 =	smul.u32 $0x50000, s7  }
0x9: {  	s10 =	smul.u32 $0x5000, s1;
	s7 =	ssub.s32 $0x2, s7;
	s8 =	sor.u32 s1, s8  }
0xa: {  	_ =	strace $0x80000047;
	s11 =	sshrl.u32 s7, $0x1;
	s8 =	smul.u32 $0x500, s8  }
0xb: {  	s9 =	sadd.s32 s10, s9;
	s30 =	ssub.s32 s7, s11;
	s10 =	simm.s32 $0x2800  }
0xc: {  	s11 =	simm.s32 $0x5000;
	s31 =	sshrl.u32 s9, $0x3;
	s9 =	simm.s32 $0x1  }
0xd: {  	s3 =	sadd.s32 s3, s8;
	s4 =	sadd.s32 s4, s8;
	s6 =	sadd.s32 s6, s31  }
0xe: {  	v0 =	vimm.f32 $0.0e+00;
	s5 =	sadd.s32 s5, s8;
	s8 =	smax.u32 s30, $0x1;
	s7 =	sadd.s32 $0x10, s6  }
.LBB2_1:
0xf: {  	s16 =	simm.s32 $0x40;
	s17 =	simm.s32 $0x0  }
.LBB2_2:
0x10: {  	p0 =	sne.s32 s16, $0x9FC0;
	[tilespmem:s17+$0x7800] =	vst v0;
	s18 =	smov.u32 s16;
	s16 =	sadd.s32 $0x40, s16  }
.Ltmp0:
0x11: {  	[tilespmem:s17+$0xA000] =	vst v0;
	(pc) =	sbr.rel @p0 .LBB2_2-.Ltmp0, $2  }
0x12: {  	_ =	sdelay $0x2  }
0x13: {  	s17 =	sshra.s32 s18, $0x2  }
0x14: {  	[tilespmem:s17+$0x7800] =	vst v0  }
0x15: {  	[tilespmem:s17+$0xA000] =	vst v0;
	s16 =	simm.s32 $0x0  }
0x16: {  	[tilespmem:s16], [sflag:$0x1] =	stream.linear.gather [hbm4b:s3+s16], $0x2800, $0x38;
	[tilespmem:$0xC800] =	vst v63  }
0x17: {  	_ =	swait.ge [sflag:s9], $0x2800  }
0x18: {  	[sflag:s9] =	ssyncset.done $0x0  }
0x19: {  	[sflag:s9] =	ssyncadd.s32 $0xFFFFD800  }
0x1a: {  	[tilespmem:s10], [sflag:$0x1] =	stream.linear.gather [hbm4b:s4+s16], $0x2800, $0x38;
	[tilespmem:$0xC800] =	vst v63  }
0x1b: {  	_ =	swait.ge [sflag:s9], $0x2800  }
0x1c: {  	[sflag:s9] =	ssyncset.done $0x0  }
0x1d: {  	[sflag:s9] =	ssyncadd.s32 $0xFFFFD800  }
0x1e: {  	[tilespmem:s11], [sflag:$0x1] =	stream.linear.gather [hbm4b:s5+s16], $0x2800, $0x38;
	[tilespmem:$0xC800] =	vst v63  }
0x1f: {  	_ =	swait.ge [sflag:s9], $0x2800  }
0x20: {  	[sflag:s9] =	ssyncset.done $0x0  }
0x21: {  	[sflag:s9] =	ssyncadd.s32 $0xFFFFD800  }
.LBB2_4:
0x22: {  	s17 =	sshra.s32 s16, $0x2  }
0x23: {  	v1 =	vld [tilespmem:s17+$0x0];
	_ =	sdelay $0x2  }
0x24: {  	v2 =	vld [tilespmem:s17+$0x5000];
	_ =	sdelay $0x4  }
0x25: {  	[tilespmem:v1+s12+$0x0] =	vst.idx.add.f32.msk $0xffff, v2  }
0x26: {  	v1 =	vld [tilespmem:s17+$0x2800];
	_ =	sdelay $0x7  }
0x27: {  	[tilespmem:v1+s13+$0x0] =	vst.idx.add.f32.msk $0xffff, v2  }
0x28: {  	v1 =	vld [tilespmem:s17+$0x10];
	_ =	sdelay $0x2  }
0x29: {  	v2 =	vld [tilespmem:s17+$0x5010];
	_ =	sdelay $0x4  }
0x2a: {  	[tilespmem:v1+s12+$0x0] =	vst.idx.add.f32.msk $0xffff, v2  }
0x2b: {  	v1 =	vld [tilespmem:s17+$0x2810];
	_ =	sdelay $0x7  }
0x2c: {  	[tilespmem:v1+s13+$0x0] =	vst.idx.add.f32.msk $0xffff, v2  }
0x2d: {  	v1 =	vld [tilespmem:s17+$0x20];
	_ =	sdelay $0x2  }
0x2e: {  	v2 =	vld [tilespmem:s17+$0x5020];
	_ =	sdelay $0x4  }
0x2f: {  	[tilespmem:v1+s12+$0x0] =	vst.idx.add.f32.msk $0xffff, v2  }
0x30: {  	v1 =	vld [tilespmem:s17+$0x2820];
	_ =	sdelay $0x7  }
0x31: {  	[tilespmem:v1+s13+$0x0] =	vst.idx.add.f32.msk $0xffff, v2  }
0x32: {  	v1 =	vld [tilespmem:s17+$0x30];
	_ =	sdelay $0x2  }
0x33: {  	v2 =	vld [tilespmem:s17+$0x5030];
	_ =	sdelay $0x4  }
0x34: {  	[tilespmem:v1+s12+$0x0] =	vst.idx.add.f32.msk $0xffff, v2  }
0x35: {  	v1 =	vld [tilespmem:s17+$0x2830];
	_ =	sdelay $0x7  }
0x36: {  	[tilespmem:v1+s13+$0x0] =	vst.idx.add.f32.msk $0xffff, v2  }
0x37: {  	v1 =	vld [tilespmem:s17+$0x40];
	_ =	sdelay $0x2  }
0x38: {  	v2 =	vld [tilespmem:s17+$0x5040];
	_ =	sdelay $0x4  }
0x39: {  	[tilespmem:v1+s12+$0x0] =	vst.idx.add.f32.msk $0xffff, v2  }
0x3a: {  	v1 =	vld [tilespmem:s17+$0x2840];
	_ =	sdelay $0x7  }
0x3b: {  	[tilespmem:v1+s13+$0x0] =	vst.idx.add.f32.msk $0xffff, v2  }
0x3c: {  	v1 =	vld [tilespmem:s17+$0x50];
	_ =	sdelay $0x2  }
0x3d: {  	v2 =	vld [tilespmem:s17+$0x5050];
	_ =	sdelay $0x4  }
0x3e: {  	[tilespmem:v1+s12+$0x0] =	vst.idx.add.f32.msk $0xffff, v2  }
0x3f: {  	v1 =	vld [tilespmem:s17+$0x2850];
	_ =	sdelay $0x7  }
0x40: {  	[tilespmem:v1+s13+$0x0] =	vst.idx.add.f32.msk $0xffff, v2  }
0x41: {  	v1 =	vld [tilespmem:s17+$0x60];
	_ =	sdelay $0x2  }
0x42: {  	v2 =	vld [tilespmem:s17+$0x5060];
	_ =	sdelay $0x4  }
0x43: {  	[tilespmem:v1+s12+$0x0] =	vst.idx.add.f32.msk $0xffff, v2  }
0x44: {  	v1 =	vld [tilespmem:s17+$0x2860];
	_ =	sdelay $0x7  }
0x45: {  	[tilespmem:v1+s13+$0x0] =	vst.idx.add.f32.msk $0xffff, v2  }
0x46: {  	v1 =	vld [tilespmem:s17+$0x70];
	_ =	sdelay $0x2  }
0x47: {  	v2 =	vld [tilespmem:s17+$0x5070];
	_ =	sdelay $0x4  }
0x48: {  	[tilespmem:v1+s12+$0x0] =	vst.idx.add.f32.msk $0xffff, v2  }
0x49: {  	v1 =	vld [tilespmem:s17+$0x2870];
	_ =	sdelay $0x2  }
0x4a: {  	p0 =	sne.s32 s16, $0x9E00  }
.Ltmp1:
0x4b: {  	_ = 	snop;
	(pc) =	sbr.rel @p0 .LBB2_4-.Ltmp1, $2  }
0x4c: {  	_ =	sdelay $0x2  }
0x4d: {  	s16 =	sadd.s32 $0x200, s16;
	[tilespmem:v1+s13+$0x0] =	vst.idx.add.f32.msk $0xffff, v2  }
0x4e: {  	[hbm4b:s6+s14] =	stream.strided.scatter [tilespmem:s12], [sflag:$0x1], $0x2800, s15, s14, $0x38;
	[tilespmem:$0xC800] =	vst v63  }
0x4f: {  	s2 =	sadd.s32 $0x1, s2;
	_ =	swait.ge [sflag:s9], $0x2800  }
0x50: {  	p0 =	sne.s32 s2, s8;
	[sflag:s9] =	ssyncset.done $0x0  }
.Ltmp2:
0x51: {  	[sflag:s9] =	ssyncadd.s32 $0xFFFFD800;
	(pc) =	sbr.rel @p0 .LBB2_1-.Ltmp2, $4  }
0x52: {  	[hbm4b:s7+s14] =	stream.strided.scatter [tilespmem:s13], [sflag:$0x1], $0x2800, s15, s14, $0x38;
	[tilespmem:$0xC800] =	vst v63  }
0x53: {  	_ =	swait.ge [sflag:s9], $0x2800  }
0x54: {  	[sflag:s9] =	ssyncset.done $0x0  }
0x55: {  	[sflag:s9] =	ssyncadd.s32 $0xFFFFD800  }
0x56: {  	_ =	sfence.sel $0x180000  }
0x57: {  	[bflag:$0x0] =	sbarrier.arrive $0xFFFF  }
0x58: {  	p0 =	sne.s32 s1, $0x0;
	_ =	strace $0x90000047  }
0x59: {  	s0 =	sadd.s32 @!p0 $0x100000, s0;
	[bflag:$0x2] =	sbarrier.arrive $0xFFFF  }
0x5a: {  	[sflag:s0] =	ssyncadd.tile.s32 @!p0 $0x1;
	_ =	shalt  }
.Lfunc_end2:
_tile_overlayer_lowered:
.L_overlay_start_2:
0x5b: {  	(tag) =	ssettag $0x2  }
0x5c: {  	s0 =	rddreg [dreg:$0x0];
	s2 =	stileid.u32  }
0x5d: {  	s1 =	rddreg [dreg:$0x1];
	p0 =	sne.s32 s2, $0x0  }
0x5e: {  	s3 =	rddreg [dreg:$0x2];
	[bflag:$0x3] =	sbarrier.arrive $0xFFFF;
	s2 =	simm.s32 @!p0 $0x1C01  }
0x5f: {  	[timem:s3], [sflag:s2] =	dma.local @!p0 [hbm:s0], s1  }
0x60: {  	s0 =	simm.s32 @!p0 $0x1  }
0x61: {  	_ =	swait.ge @!p0 [sflag:s0], s1  }
0x62: {  	s1 =	ssub.s32 @!p0 $0x0, s1;
	[sflag:s0] =	ssyncset.done @!p0 $0x0  }
0x63: {  	[sflag:s0] =	ssyncadd.s32 @!p0 s1  }
0x64: {  	[bflag:$0x3] =	sbarrier.arrive $0xFFFF  }
0x65: {  	_ =	shalt  }

</sc_bundles>
